<compile_context>
chip_gen: v7x
topology: tpu7x:2x2x1
jax: 0.10.2.dev20260603
libtpu: 0.0.44.dev20260713+nightly
codegen_flags: <defaults>
</compile_context>

<pallas_src>
import functools

import jax
import jax.numpy as jnp
from jax import lax
from jax.experimental import pallas as pl
from jax.experimental.pallas import tpu as pltpu
from jax.experimental.pallas import tpu_sc as plsc

_B = 16
_D = 1024
_L = 16


def _sc_body(hs_ref, w_ref, b_ref, cu_ref, out_ref,
             cu_v, w_v, piece_v, contrib_v, b_v, gath_v, out_v, shared,
             sem, sem_w, sem_b):
    s = lax.axis_index("s")

    def _compute():
        cp_w = pltpu.async_copy(w_ref, w_v, sem_w)
        cp_b = pltpu.async_copy(b_ref, b_v, sem_b)
        pltpu.sync_copy(cu_ref, cu_v)
        lane = lax.iota(jnp.int32, _L)
        pltpu.async_copy(hs_ref.at[cu_v.at[s]], piece_v, sem).wait()
        cp_w.wait()
        def _fma(i, acc):
            return acc + (piece_v[0, pl.ds(i * _L, _L)]
                          * w_v[pl.ds(i * _L, _L)])
        acc = lax.fori_loop(0, _D // _L, _fma,
                            jnp.zeros((_L,), dtype=jnp.float32), unroll=4)
        logit = jnp.sum(acc)
        contrib_v[...] = jnp.where(lane == s, logit, 0.0)
        pltpu.sync_copy(contrib_v, shared.at[pl.ds(s * _L, _L)])
        cp_b.wait()

    _compute()
    plsc.subcore_barrier()

    @pl.when(s == 0)
    def _finalize():
        pltpu.sync_copy(shared, gath_v)
        tot = gath_v[pl.ds(0, _L)]
        for r in range(1, _B):
            tot = tot + gath_v[pl.ds(r * _L, _L)]
        logits = tot + b_v[...]
        out_v[...] = 1.0 / (1.0 + jnp.exp(-logits))
        pltpu.sync_copy(out_v, out_ref)


@functools.partial(
    pl.kernel,
    out_type=jax.ShapeDtypeStruct((_B,), jnp.float32),
    mesh=plsc.VectorSubcoreMesh(core_axis_name="c", subcore_axis_name="s",
                                num_cores=1),
    compiler_params=pltpu.CompilerParams(needs_layout_passes=False),
    scratch_types=[
        pltpu.VMEM((_B, 1), jnp.int32),
        pltpu.VMEM((_D,), jnp.float32),
        pltpu.VMEM((1, _D), jnp.float32),
        pltpu.VMEM((_L,), jnp.float32),
        pltpu.VMEM((_B,), jnp.float32),
        pltpu.VMEM((_B * _L,), jnp.float32),
        pltpu.VMEM((_B,), jnp.float32),
        pltpu.VMEM_SHARED((_B * _L,), jnp.float32),
        pltpu.SemaphoreType.DMA,
        pltpu.SemaphoreType.DMA,
        pltpu.SemaphoreType.DMA,
    ],
)
def _sc_pool(hs_ref, w_ref, b_ref, cu_ref, out_ref, *scratch):
    _sc_body(hs_ref, w_ref, b_ref, cu_ref, out_ref, *scratch)


def kernel(hidden_states, W, b, cu_seqlens):
    w1 = W.reshape(_D)
    bvec = jnp.broadcast_to(b.astype(jnp.float32), (_B,))
    starts2 = cu_seqlens[:-1].reshape(_B, 1)
    return _sc_pool(hidden_states, w1, bvec, starts2)

# --- scband reference (transcript-rebuilt; emitter-appended) ---
"""Pipeline reference for scband-cross-encoding-pooler-32263794327776 (READ-ONLY COPY).

The authoritative reference and input builder live on the scoring server;
editing this copy changes nothing except your own understanding.
"""

import jax, jax.numpy as jnp
import numpy as np


def setup_inputs(seed: int = 0) -> dict:
    key = jax.random.key(seed)
    B = 16
    total_tok = 32768
    d = 1024
    k1, k2, _ = jax.random.split(key, 3)
    hidden_states = jax.random.normal(k1, (total_tok, d), dtype=jnp.float32)
    # classifier: Linear(d -> 1)
    W = jax.random.normal(k2, (d, 1), dtype=jnp.float32) * 0.02
    b = jnp.zeros((1,), dtype=jnp.float32)
    # cumulative sequence lengths (B+1 entries); equal-length ragged segments
    cu_seqlens = jnp.arange(B + 1, dtype=jnp.int32) * (total_tok // B)
    return {"hidden_states": hidden_states, "W": W, "b": b, "cu_seqlens": cu_seqlens}


def reference(hidden_states, W, b, cu_seqlens):
    # CrossEncodingPooler with a CLS-token pooler:
    #  1. for each prompt (segment defined by cu_seqlens), pooler extracts the
    #     first token of the segment -> gather at segment start offsets
    #  2. classifier (Linear d->1) applied to the stacked pooled vectors
    #  3. default cross-encoder activation (sigmoid), squeeze last dim
    starts = cu_seqlens[:-1]                       # [B] segment start offsets
    pooled = jnp.take(hidden_states, starts, axis=0)  # [B, d] CLS pooling (gather)
    logits = pooled @ W + b                        # [B, 1] classifier
    scores = jax.nn.sigmoid(logits).squeeze(-1)    # [B]
    return scores

if __name__ == "__main__":
    import jax
    _d = setup_inputs()
    print(jax.jit(kernel)(*tuple(_d.values())))

</pallas_src>

<mosaic_0001>
#map = affine_map<(d0, d1) -> (0, 0)>
#map1 = affine_map<(d0, d1) -> (0)>
module attributes {stable_mosaic.version = 14 : i64} {
  func.func @_sc_pool(%arg0: i32, %arg1: i32, %arg2: memref<32768x1024xf32, #tpu.memory_space<hbm>>, %arg3: memref<1024xf32, #tpu.memory_space<hbm>>, %arg4: memref<16xf32, #tpu.memory_space<hbm>>, %arg5: memref<16x1xi32, #tpu.memory_space<hbm>>, %arg6: memref<16xf32, #tpu.memory_space<hbm>>, %arg7: memref<16x1xi32, #tpu.memory_space<vmem>>, %arg8: memref<1024xf32, #tpu.memory_space<vmem>>, %arg9: memref<1x1024xf32, #tpu.memory_space<vmem>>, %arg10: memref<16xf32, #tpu.memory_space<vmem>>, %arg11: memref<16xf32, #tpu.memory_space<vmem>>, %arg12: memref<256xf32, #tpu.memory_space<vmem>>, %arg13: memref<16xf32, #tpu.memory_space<vmem>>, %arg14: memref<256xf32, #tpu.memory_space<vmem_shared>>, %arg15: memref<!tpu.dma_semaphore, #tpu.memory_space<semaphore_mem>>, %arg16: memref<!tpu.dma_semaphore, #tpu.memory_space<semaphore_mem>>, %arg17: memref<!tpu.dma_semaphore, #tpu.memory_space<semaphore_mem>>) attributes {dimension_semantics = [#tpu.dimension_semantics<core_parallel>, #tpu.dimension_semantics<subcore_parallel>], iteration_bounds = array<i64: 1, 16>, scalar_prefetch = 0 : i64, scratch_operands = 11 : i64, tpu.core_type = #tpu.core_type<sc_vector_subcore>, window_params = [{transform_indices = #map}, {transform_indices = #map1}, {transform_indices = #map1}, {transform_indices = #map}, {transform_indices = #map1}]} {
    tpu.enqueue_dma source(%arg3 : memref<1024xf32, #tpu.memory_space<hbm>>) target(%arg8 : memref<1024xf32, #tpu.memory_space<vmem>>) target_semaphore(%arg16 : memref<!tpu.dma_semaphore, #tpu.memory_space<semaphore_mem>>)
    tpu.enqueue_dma source(%arg4 : memref<16xf32, #tpu.memory_space<hbm>>) target(%arg11 : memref<16xf32, #tpu.memory_space<vmem>>) target_semaphore(%arg17 : memref<!tpu.dma_semaphore, #tpu.memory_space<semaphore_mem>>)
    "tpu.region"() ({
      %run_scoped3A = tpu.sem_alloc : memref<!tpu.dma_semaphore, #tpu.memory_space<semaphore_mem>>
      tpu.enqueue_dma source(%arg5 : memref<16x1xi32, #tpu.memory_space<hbm>>) target(%arg7 : memref<16x1xi32, #tpu.memory_space<vmem>>) target_semaphore(%run_scoped3A : memref<!tpu.dma_semaphore, #tpu.memory_space<semaphore_mem>>)
      tpu.wait_dma2 semaphore(%run_scoped3A : memref<!tpu.dma_semaphore, #tpu.memory_space<semaphore_mem>>) src(%arg5 : memref<16x1xi32, #tpu.memory_space<hbm>>) dst(%arg7 : memref<16x1xi32, #tpu.memory_space<vmem>>)
      tpu.yield
    }) : () -> ()
    %iota3A = tpu.iota {dimensions = array<i32: 0>} : vector<16xi32>
    %dma_start3A = arith.constant 0 : i32
    %dma_start3A_0 = tpu.memref_slice %arg7[%arg1, %dma_start3A] : memref<16x1xi32, #tpu.memory_space<vmem>> -> memref<1x1xi32, #tpu.memory_space<vmem>>
    %dma_start3A_1 = tpu.memref_squeeze %dma_start3A_0 : memref<1x1xi32, #tpu.memory_space<vmem>> -> memref<1xi32, #tpu.memory_space<vmem>>
    %dma_start3A_2 = arith.constant 0 : i32
    %dma_start3A_3 = arith.constant 0 : i32
    %dma_start3A_4 = tpu.memref_slice %arg2[%dma_start3A_2, %dma_start3A_3] : memref<32768x1024xf32, #tpu.memory_space<hbm>> -> memref<32768x1024xf32, #tpu.memory_space<hbm>>
    tpu.enqueue_indirect_dma source(%dma_start3A_4 : memref<32768x1024xf32, #tpu.memory_space<hbm>>) target(%arg9 : memref<1x1024xf32, #tpu.memory_space<vmem>>) offsets(%dma_start3A_1 : memref<1xi32, #tpu.memory_space<vmem>>) semaphore(%arg15 : memref<!tpu.dma_semaphore, #tpu.memory_space<semaphore_mem>>)
    %dma_wait3A = arith.constant 0 : i32
    %dma_wait3A_5 = tpu.memref_slice %arg7[%arg1, %dma_wait3A] : memref<16x1xi32, #tpu.memory_space<vmem>> -> memref<1x1xi32, #tpu.memory_space<vmem>>
    %dma_wait3A_6 = tpu.memref_squeeze %dma_wait3A_5 : memref<1x1xi32, #tpu.memory_space<vmem>> -> memref<1xi32, #tpu.memory_space<vmem>>
    %dma_wait3A_7 = arith.constant 0 : i32
    %dma_wait3A_8 = arith.constant 0 : i32
    %dma_wait3A_9 = tpu.memref_slice %arg2[%dma_wait3A_7, %dma_wait3A_8] : memref<32768x1024xf32, #tpu.memory_space<hbm>> -> memref<32768x1024xf32, #tpu.memory_space<hbm>>
    tpu.wait_indirect_dma semaphore(%arg15 : memref<!tpu.dma_semaphore, #tpu.memory_space<semaphore_mem>>) src(%dma_wait3A_9 : memref<32768x1024xf32, #tpu.memory_space<hbm>>) dst(%arg9 : memref<1x1024xf32, #tpu.memory_space<vmem>>)
    tpu.wait_dma2 semaphore(%arg16 : memref<!tpu.dma_semaphore, #tpu.memory_space<semaphore_mem>>) src(%arg3 : memref<1024xf32, #tpu.memory_space<hbm>>) dst(%arg8 : memref<1024xf32, #tpu.memory_space<vmem>>)
    %broadcast_in_dim3A = arith.constant 0.000000e+00 : f32
    %broadcast_in_dim3A_10 = vector.broadcast %broadcast_in_dim3A : f32 to vector<16xf32>
    %scan3A = arith.constant 0 : i32
    %scan3A_11 = arith.constant 64 : i32
    %scan3A_12 = arith.addi %scan3A, %scan3A_11 : i32
    %scan3A_13 = arith.constant 4 : i32
    %scan3A_14 = scf.for %scan3A_27 = %scan3A to %scan3A_12 step %scan3A_13 iter_args(%scan3A_28 = %broadcast_in_dim3A_10) -> (vector<16xf32>)  : i32 {
      %mul3A_29 = arith.constant 16 : i32
      %mul3A_30 = arith.muli %scan3A_27, %mul3A_29 : i32
      %get3A = arith.constant 0 : i32
      %get3A_31 = arith.index_cast %get3A : i32 to index
      %get3A_32 = arith.index_cast %mul3A_30 : i32 to index
      %get3A_33 = tpu.vector_load %arg9[%get3A_31, %get3A_32] {strides = array<i32>} : memref<1x1024xf32, #tpu.memory_space<vmem>>, vector<16xf32>,
      %mul3A_34 = arith.constant 16 : i32
      %mul3A_35 = arith.muli %scan3A_27, %mul3A_34 : i32
      %get3A_36 = arith.index_cast %mul3A_35 : i32 to index
      %get3A_37 = tpu.vector_load %arg8[%get3A_36] {strides = array<i32>} : memref<1024xf32, #tpu.memory_space<vmem>>, vector<16xf32>,
      %mul3A_38 = arith.mulf %get3A_33, %get3A_37 : vector<16xf32>
      %add3A = arith.addf %scan3A_28, %mul3A_38 : vector<16xf32>
      %scan3A_39 = arith.constant 1 : i32
      %scan3A_40 = arith.addi %scan3A_27, %scan3A_39 : i32
      %mul3A_41 = arith.constant 16 : i32
      %mul3A_42 = arith.muli %scan3A_40, %mul3A_41 : i32
      %get3A_43 = arith.constant 0 : i32
      %get3A_44 = arith.index_cast %get3A_43 : i32 to index
      %get3A_45 = arith.index_cast %mul3A_42 : i32 to index
      %get3A_46 = tpu.vector_load %arg9[%get3A_44, %get3A_45] {strides = array<i32>} : memref<1x1024xf32, #tpu.memory_space<vmem>>, vector<16xf32>,
      %mul3A_47 = arith.constant 16 : i32
      %mul3A_48 = arith.muli %scan3A_40, %mul3A_47 : i32
      %get3A_49 = arith.index_cast %mul3A_48 : i32 to index
      %get3A_50 = tpu.vector_load %arg8[%get3A_49] {strides = array<i32>} : memref<1024xf32, #tpu.memory_space<vmem>>, vector<16xf32>,
      %mul3A_51 = arith.mulf %get3A_46, %get3A_50 : vector<16xf32>
      %add3A_52 = arith.addf %add3A, %mul3A_51 : vector<16xf32>
      %scan3A_53 = arith.constant 2 : i32
      %scan3A_54 = arith.addi %scan3A_27, %scan3A_53 : i32
      %mul3A_55 = arith.constant 16 : i32
      %mul3A_56 = arith.muli %scan3A_54, %mul3A_55 : i32
      %get3A_57 = arith.constant 0 : i32
      %get3A_58 = arith.index_cast %get3A_57 : i32 to index
      %get3A_59 = arith.index_cast %mul3A_56 : i32 to index
      %get3A_60 = tpu.vector_load %arg9[%get3A_58, %get3A_59] {strides = array<i32>} : memref<1x1024xf32, #tpu.memory_space<vmem>>, vector<16xf32>,
      %mul3A_61 = arith.constant 16 : i32
      %mul3A_62 = arith.muli %scan3A_54, %mul3A_61 : i32
      %get3A_63 = arith.index_cast %mul3A_62 : i32 to index
      %get3A_64 = tpu.vector_load %arg8[%get3A_63] {strides = array<i32>} : memref<1024xf32, #tpu.memory_space<vmem>>, vector<16xf32>,
      %mul3A_65 = arith.mulf %get3A_60, %get3A_64 : vector<16xf32>
      %add3A_66 = arith.addf %add3A_52, %mul3A_65 : vector<16xf32>
      %scan3A_67 = arith.constant 3 : i32
      %scan3A_68 = arith.addi %scan3A_27, %scan3A_67 : i32
      %mul3A_69 = arith.constant 16 : i32
      %mul3A_70 = arith.muli %scan3A_68, %mul3A_69 : i32
      %get3A_71 = arith.constant 0 : i32
      %get3A_72 = arith.index_cast %get3A_71 : i32 to index
      %get3A_73 = arith.index_cast %mul3A_70 : i32 to index
      %get3A_74 = tpu.vector_load %arg9[%get3A_72, %get3A_73] {strides = array<i32>} : memref<1x1024xf32, #tpu.memory_space<vmem>>, vector<16xf32>,
      %mul3A_75 = arith.constant 16 : i32
      %mul3A_76 = arith.muli %scan3A_68, %mul3A_75 : i32
      %get3A_77 = arith.index_cast %mul3A_76 : i32 to index
      %get3A_78 = tpu.vector_load %arg8[%get3A_77] {strides = array<i32>} : memref<1024xf32, #tpu.memory_space<vmem>>, vector<16xf32>,
      %mul3A_79 = arith.mulf %get3A_74, %get3A_78 : vector<16xf32>
      %add3A_80 = arith.addf %add3A_66, %mul3A_79 : vector<16xf32>
      scf.yield %add3A_80 : vector<16xf32>
    }
    %scan3A_15 = arith.constant 64 : i32
    %reduce_sum3A = arith.constant true
    %reduce_sum3A_16 = vector.broadcast %reduce_sum3A : i1 to vector<16xi1>
    %reduce_sum3A_17 = tpu.scan <sum>, %scan3A_14 masked %reduce_sum3A_16 : vector<16xf32>, vector<16xi1> -> vector<16xf32>
    %reduce_sum3A_18 = vector.extract %reduce_sum3A_17[15] : f32 from vector<16xf32>
    %eq3A = vector.broadcast %arg1 : i32 to vector<16xi32>
    %eq3A_19 = arith.cmpi eq, %iota3A, %eq3A : vector<16xi32>
    %jit3A = arith.constant 0.000000e+00 : f32
    %broadcast_in_dim3A_20 = vector.broadcast %reduce_sum3A_18 : f32 to vector<16xf32>
    %broadcast_in_dim3A_21 = vector.broadcast %jit3A : f32 to vector<16xf32>
    %select_n3A = arith.select %eq3A_19, %broadcast_in_dim3A_20, %broadcast_in_dim3A_21 : vector<16xi1>, vector<16xf32>
    %swap3A = arith.constant 0 : index
    %swap3A_22 = tpu.vector_load %arg10[%swap3A] {strides = array<i32>} : memref<16xf32, #tpu.memory_space<vmem>>, vector<16xf32>,
    tpu.vector_store %arg10[%swap3A], %select_n3A {strides = array<i32>} : memref<16xf32, #tpu.memory_space<vmem>>, vector<16xf32>,
    %mul3A = arith.constant 16 : i32
    %mul3A_23 = arith.muli %arg1, %mul3A : i32
    "tpu.region"() ({
      %run_scoped3A = tpu.sem_alloc : memref<!tpu.dma_semaphore, #tpu.memory_space<semaphore_mem>>
      %dma_start3A_27 = tpu.memref_slice %arg14[%mul3A_23] : memref<256xf32, #tpu.memory_space<vmem_shared>> -> memref<16xf32, #tpu.memory_space<vmem_shared>>
      %dma_start3A_28 = tpu.memref_slice %arg14[%mul3A_23] : memref<256xf32, #tpu.memory_space<vmem_shared>> -> memref<16xf32, #tpu.memory_space<vmem_shared>>
      tpu.enqueue_dma source(%arg10 : memref<16xf32, #tpu.memory_space<vmem>>) target(%dma_start3A_28 : memref<16xf32, #tpu.memory_space<vmem_shared>>) target_semaphore(%run_scoped3A : memref<!tpu.dma_semaphore, #tpu.memory_space<semaphore_mem>>)
      %dma_wait3A_29 = tpu.memref_slice %arg14[%mul3A_23] : memref<256xf32, #tpu.memory_space<vmem_shared>> -> memref<16xf32, #tpu.memory_space<vmem_shared>>
      %dma_wait3A_30 = tpu.memref_slice %arg14[%mul3A_23] : memref<256xf32, #tpu.memory_space<vmem_shared>> -> memref<16xf32, #tpu.memory_space<vmem_shared>>
      tpu.wait_dma2 semaphore(%run_scoped3A : memref<!tpu.dma_semaphore, #tpu.memory_space<semaphore_mem>>) src(%arg10 : memref<16xf32, #tpu.memory_space<vmem>>) dst(%dma_wait3A_30 : memref<16xf32, #tpu.memory_space<vmem_shared>>)
      tpu.yield
    }) : () -> ()
    tpu.wait_dma2 semaphore(%arg17 : memref<!tpu.dma_semaphore, #tpu.memory_space<semaphore_mem>>) src(%arg4 : memref<16xf32, #tpu.memory_space<hbm>>) dst(%arg11 : memref<16xf32, #tpu.memory_space<vmem>>)
    %barrier3A = arith.constant 0 : index
    tpu.barrier barrier_id(%barrier3A)
    %eq3A_24 = arith.constant 0 : i32
    %eq3A_25 = arith.cmpi eq, %arg1, %eq3A_24 : i32
    %convert_element_type3A = arith.extui %eq3A_25 : i1 to i32
    %cond3A = arith.constant 0 : i32
    %cond3A_26 = arith.cmpi ne, %convert_element_type3A, %cond3A : i32
    scf.if %cond3A_26 {
      "tpu.region"() ({
        %run_scoped3A = tpu.sem_alloc : memref<!tpu.dma_semaphore, #tpu.memory_space<semaphore_mem>>
        tpu.enqueue_dma source(%arg14 : memref<256xf32, #tpu.memory_space<vmem_shared>>) target(%arg12 : memref<256xf32, #tpu.memory_space<vmem>>) target_semaphore(%run_scoped3A : memref<!tpu.dma_semaphore, #tpu.memory_space<semaphore_mem>>)
        tpu.wait_dma2 semaphore(%run_scoped3A : memref<!tpu.dma_semaphore, #tpu.memory_space<semaphore_mem>>) src(%arg14 : memref<256xf32, #tpu.memory_space<vmem_shared>>) dst(%arg12 : memref<256xf32, #tpu.memory_space<vmem>>)
        tpu.yield
      }) : () -> ()
      %get3A = arith.constant 0 : index
      %get3A_27 = tpu.vector_load %arg12[%get3A] {strides = array<i32>} : memref<256xf32, #tpu.memory_space<vmem>>, vector<16xf32>,
      %get3A_28 = arith.constant 16 : index
      %get3A_29 = tpu.vector_load %arg12[%get3A_28] {strides = array<i32>} : memref<256xf32, #tpu.memory_space<vmem>>, vector<16xf32>,
      %add3A = arith.addf %get3A_27, %get3A_29 : vector<16xf32>
      %get3A_30 = arith.constant 32 : index
      %get3A_31 = tpu.vector_load %arg12[%get3A_30] {strides = array<i32>} : memref<256xf32, #tpu.memory_space<vmem>>, vector<16xf32>,
      %add3A_32 = arith.addf %add3A, %get3A_31 : vector<16xf32>
      %get3A_33 = arith.constant 48 : index
      %get3A_34 = tpu.vector_load %arg12[%get3A_33] {strides = array<i32>} : memref<256xf32, #tpu.memory_space<vmem>>, vector<16xf32>,
      %add3A_35 = arith.addf %add3A_32, %get3A_34 : vector<16xf32>
      %get3A_36 = arith.constant 64 : index
      %get3A_37 = tpu.vector_load %arg12[%get3A_36] {strides = array<i32>} : memref<256xf32, #tpu.memory_space<vmem>>, vector<16xf32>,
      %add3A_38 = arith.addf %add3A_35, %get3A_37 : vector<16xf32>
      %get3A_39 = arith.constant 80 : index
      %get3A_40 = tpu.vector_load %arg12[%get3A_39] {strides = array<i32>} : memref<256xf32, #tpu.memory_space<vmem>>, vector<16xf32>,
      %add3A_41 = arith.addf %add3A_38, %get3A_40 : vector<16xf32>
      %get3A_42 = arith.constant 96 : index
      %get3A_43 = tpu.vector_load %arg12[%get3A_42] {strides = array<i32>} : memref<256xf32, #tpu.memory_space<vmem>>, vector<16xf32>,
      %add3A_44 = arith.addf %add3A_41, %get3A_43 : vector<16xf32>
      %get3A_45 = arith.constant 112 : index
      %get3A_46 = tpu.vector_load %arg12[%get3A_45] {strides = array<i32>} : memref<256xf32, #tpu.memory_space<vmem>>, vector<16xf32>,
      %add3A_47 = arith.addf %add3A_44, %get3A_46 : vector<16xf32>
      %get3A_48 = arith.constant 128 : index
      %get3A_49 = tpu.vector_load %arg12[%get3A_48] {strides = array<i32>} : memref<256xf32, #tpu.memory_space<vmem>>, vector<16xf32>,
      %add3A_50 = arith.addf %add3A_47, %get3A_49 : vector<16xf32>
      %get3A_51 = arith.constant 144 : index
      %get3A_52 = tpu.vector_load %arg12[%get3A_51] {strides = array<i32>} : memref<256xf32, #tpu.memory_space<vmem>>, vector<16xf32>,
      %add3A_53 = arith.addf %add3A_50, %get3A_52 : vector<16xf32>
      %get3A_54 = arith.constant 160 : index
      %get3A_55 = tpu.vector_load %arg12[%get3A_54] {strides = array<i32>} : memref<256xf32, #tpu.memory_space<vmem>>, vector<16xf32>,
      %add3A_56 = arith.addf %add3A_53, %get3A_55 : vector<16xf32>
      %get3A_57 = arith.constant 176 : index
      %get3A_58 = tpu.vector_load %arg12[%get3A_57] {strides = array<i32>} : memref<256xf32, #tpu.memory_space<vmem>>, vector<16xf32>,
      %add3A_59 = arith.addf %add3A_56, %get3A_58 : vector<16xf32>
      %get3A_60 = arith.constant 192 : index
      %get3A_61 = tpu.vector_load %arg12[%get3A_60] {strides = array<i32>} : memref<256xf32, #tpu.memory_space<vmem>>, vector<16xf32>,
      %add3A_62 = arith.addf %add3A_59, %get3A_61 : vector<16xf32>
      %get3A_63 = arith.constant 208 : index
      %get3A_64 = tpu.vector_load %arg12[%get3A_63] {strides = array<i32>} : memref<256xf32, #tpu.memory_space<vmem>>, vector<16xf32>,
      %add3A_65 = arith.addf %add3A_62, %get3A_64 : vector<16xf32>
      %get3A_66 = arith.constant 224 : index
      %get3A_67 = tpu.vector_load %arg12[%get3A_66] {strides = array<i32>} : memref<256xf32, #tpu.memory_space<vmem>>, vector<16xf32>,
      %add3A_68 = arith.addf %add3A_65, %get3A_67 : vector<16xf32>
      %get3A_69 = arith.constant 240 : index
      %get3A_70 = tpu.vector_load %arg12[%get3A_69] {strides = array<i32>} : memref<256xf32, #tpu.memory_space<vmem>>, vector<16xf32>,
      %add3A_71 = arith.addf %add3A_68, %get3A_70 : vector<16xf32>
      %get3A_72 = arith.constant 0 : index
      %get3A_73 = tpu.vector_load %arg11[%get3A_72] {strides = array<i32>} : memref<16xf32, #tpu.memory_space<vmem>>, vector<16xf32>,
      %add3A_74 = arith.addf %add3A_71, %get3A_73 : vector<16xf32>
      %neg3A = arith.constant 0.000000e+00 : f32
      %neg3A_75 = vector.broadcast %neg3A : f32 to vector<16xf32>
      %neg3A_76 = arith.subf %neg3A_75, %add3A_74 : vector<16xf32>
      %exp3A = math.exp %neg3A_76 : vector<16xf32>
      %add3A_77 = arith.constant 1.000000e+00 : f32
      %add3A_78 = vector.broadcast %add3A_77 : f32 to vector<16xf32>
      %add3A_79 = arith.addf %add3A_78, %exp3A : vector<16xf32>
      %div3A = arith.constant 1.000000e+00 : f32
      %div3A_80 = vector.broadcast %div3A : f32 to vector<16xf32>
      %div3A_81 = arith.divf %div3A_80, %add3A_79 : vector<16xf32>
      %swap3A_82 = arith.constant 0 : index
      %swap3A_83 = tpu.vector_load %arg13[%swap3A_82] {strides = array<i32>} : memref<16xf32, #tpu.memory_space<vmem>>, vector<16xf32>,
      tpu.vector_store %arg13[%swap3A_82], %div3A_81 {strides = array<i32>} : memref<16xf32, #tpu.memory_space<vmem>>, vector<16xf32>,
      "tpu.region"() ({
        %run_scoped3A = tpu.sem_alloc : memref<!tpu.dma_semaphore, #tpu.memory_space<semaphore_mem>>
        tpu.enqueue_dma source(%arg13 : memref<16xf32, #tpu.memory_space<vmem>>) target(%arg6 : memref<16xf32, #tpu.memory_space<hbm>>) target_semaphore(%run_scoped3A : memref<!tpu.dma_semaphore, #tpu.memory_space<semaphore_mem>>)
        tpu.wait_dma2 semaphore(%run_scoped3A : memref<!tpu.dma_semaphore, #tpu.memory_space<semaphore_mem>>) src(%arg13 : memref<16xf32, #tpu.memory_space<vmem>>) dst(%arg6 : memref<16xf32, #tpu.memory_space<hbm>>)
        tpu.yield
      }) : () -> ()
    } else {
    }
    return
  }
}

</mosaic_0001>

<sc_bundles>
// kernel: kernel.3.cloned.1.call-start
scs
__scs_entry_jumppad:
0x0: {  	(pc) =	sbr.rel $0x88, $3  }
0x1: {  	(tag) =	ssettag $0x0;
	lr =	simm.s32 $0x1  }
0x2: {  	[smem:$0x3F9D] =	sst lr;
	_ =	strace $0xD0000000  }
0x3: {  	_ = 	snop  }
0x4: {  	_ = 	snop  }
0x5: {  	_ = 	snop  }
0x6: {  	_ = 	snop  }
0x7: {  	_ = 	snop  }
__scs_overlays_trampoline_lowered:
0x8: {  	[smem:$0x3FAC] =	sst s0  }
0x9: {  	[smem:$0x3FAD] =	sst s1  }
0xa: {  	[smem:$0x3FAE] =	sst s2  }
0xb: {  	[smem:$0x3FAF] =	sst s3  }
0xc: {  	[smem:$0x3FB0] =	sst s4  }
0xd: {  	[smem:$0x3FB1] =	sst s5  }
0xe: {  	[smem:$0x3FB2] =	sst s6  }
0xf: {  	[smem:$0x3FB3] =	sst s7  }
0x10: {  	[smem:$0x3FB4] =	sst s8  }
0x11: {  	[smem:$0x3FB5] =	sst s9;
	s0 =	simm.s32 @!p0 $0x0  }
0x12: {  	s1 =	sld [smem:$0x3F9B];
	s0 =	simm.s32 @p0 $0x1  }
0x13: {  	[smem:$0x3FB6] =	sst s0;
	s0 =	simm.s32 @!p1 $0x0  }
0x14: {  	s2 =	sld [smem:$0x3F9A];
	s0 =	simm.s32 @p1 $0x1  }
0x15: {  	[smem:$0x3FB7] =	sst s0;
	s0 =	simm.s32 @!p2 $0x0  }
0x16: {  	s3 =	sld [smem:$0x3FDB];
	s0 =	simm.s32 @p2 $0x1  }
0x17: {  	s4 =	simm.s32 $0x1BF5;
	[smem:$0x3FB9] =	sst s0  }
0x18: {  	s0 =	sld [smem:$0x3F9C];
	_ =	swait.ge [sflag:s4], $0x0  }
0x19: {  	s7 =	sld [smem:$0x3F9D]  }
0x1a: {  	s8 =	sadd.s32 $0xFFFFE003, lr  }
0x1b: {  	s9 =	sadd.s32 $0xFFFFFEF7, lr;
	s5 =	simm.s32 $0xFFFFFFFF;
	p2 =	slt.u32 s8, $0xFFFFF086  }
0x1c: {  	p1 =	slt.u32 s9, $0xF7A;
	s5 =	simm.s32 @!p2 $0x0  }
0x1d: {  	s5 =	simm.s32 @p1 $0x1;
	p0 =	seq.s32 s7, s2  }
0x1e: {  	s7 =	smul.u32 @!p0 $0xF7A, s2;
	p2 =	seq.s32 @!p0 s5, $0x0  }
0x1f: {  	s9 =	smul.u32 $0xF7A, s1;
	s8 =	simm.s32 @!p0 $0x1BF5;
	p2 =	por !p2, p0  }
0x20: {  	[sflag:s8] =	ssyncset.s32 @!p0 $0xFFFFF086;
	s6 =	sadd.s32 @!p0 s3, s7;
	s7 =	simm.s32 @!p0 $0x108  }
0x21: {  	s3 =	sadd.s32 s3, s9;
	s6 =	sadd.s32 @!p0 $0x88, s6;
	s7 =	simm.s32 @p2 $0x1082  }
0x22: {  	[simem:s7], [sflag:s8] =	dma.local @!p0 [hbm:s6], $0xF7A  }
0x23: {  	s9 =	sor.u32 $0xD0000000, s2;
	s6 =	simm.s32 $0x108;
	_ =	swait.ge @!p0 [sflag:s8], $0x0  }
0x24: {  	s3 =	sadd.s32 $0x88, s3;
	s6 =	simm.s32 @!p1 $0x1082;
	[sflag:s4] =	ssyncset.s32 $0xFFFFF086  }
0x25: {  	[simem:s6], [sflag:s4] =	dma.local [hbm:s3], $0xF7A  }
0x26: {  	[smem:$0x3F9D] =	sst s1;
	(tag) =	ssettag s2;
	_ =	strace s9  }
0x27: {  	s1 =	sld [smem:$0x3FAD]  }
0x28: {  	s2 =	sld [smem:$0x3FAE]  }
0x29: {  	s4 =	sld [smem:$0x3FB0]  }
0x2a: {  	p0 =	seq.s32 s5, $0x0;
	s5 =	sld [smem:$0x3FB1]  }
0x2b: {  	s6 =	sld [smem:$0x3FB2]  }
0x2c: {  	s7 =	sld [smem:$0x3FB3]  }
0x2d: {  	s3 =	simm.s32 $0x108;
	s8 =	sld [smem:$0x3FB4]  }
0x2e: {  	s3 =	simm.s32 @!p0 $0x1082;
	s9 =	sld [smem:$0x3FB5]  }
0x2f: {  	lr =	sadd.s32 s0, s3;
	s0 =	sld [smem:$0x3FAC]  }
0x30: {  	s3 =	sld [smem:$0x3FAF]  }
0x31: {  	[smem:$0x3FB8] =	sst s10  }
0x32: {  	s10 =	sld [smem:$0x3FB6];
	_ =	sdelay $0x3  }
0x33: {  	p0 =	seq.s32 s10, $0x1;
	s10 =	sld [smem:$0x3FB8];
	_ =	sdelay $0x3  }
0x34: {  	[smem:$0x3FB8] =	sst s10  }
0x35: {  	s10 =	sld [smem:$0x3FB7];
	_ =	sdelay $0x3  }
0x36: {  	p1 =	seq.s32 s10, $0x1;
	s10 =	sld [smem:$0x3FB8];
	_ =	sdelay $0x3  }
0x37: {  	[smem:$0x3FB8] =	sst s10  }
0x38: {  	s10 =	sld [smem:$0x3FB9]  }
0x39: {  	_ = 	snop;
	(pc) =	sbr.ind lr, $3  }
0x3a: {  	_ = 	snop  }
0x3b: {  	_ = 	snop  }
0x3c: {  	p2 =	seq.s32 s10, $0x1;
	s10 =	sld [smem:$0x3FB8]  }
0x3d: {  	_ =	shalt  }
0x3e: {  	_ =	shalt  }
0x3f: {  	_ =	shalt  }
0x40: {  	_ =	shalt  }
0x41: {  	_ =	shalt  }
0x42: {  	_ =	shalt  }
0x43: {  	_ =	shalt  }
0x44: {  	_ =	shalt  }
0x45: {  	_ =	shalt  }
0x46: {  	_ =	shalt  }
0x47: {  	_ =	shalt  }
0x48: {  	_ =	shalt  }
0x49: {  	_ =	shalt  }
0x4a: {  	_ =	shalt  }
0x4b: {  	_ =	shalt  }
0x4c: {  	_ =	shalt  }
0x4d: {  	_ =	shalt  }
0x4e: {  	_ =	shalt  }
0x4f: {  	_ =	shalt  }
0x50: {  	_ =	shalt  }
0x51: {  	_ =	shalt  }
0x52: {  	_ =	shalt  }
0x53: {  	_ =	shalt  }
0x54: {  	_ =	shalt  }
0x55: {  	_ =	shalt  }
0x56: {  	_ =	shalt  }
0x57: {  	_ =	shalt  }
0x58: {  	_ =	shalt  }
0x59: {  	_ =	shalt  }
0x5a: {  	_ =	shalt  }
0x5b: {  	_ =	shalt  }
0x5c: {  	_ =	shalt  }
0x5d: {  	_ =	shalt  }
0x5e: {  	_ =	shalt  }
0x5f: {  	_ =	shalt  }
0x60: {  	_ =	shalt  }
0x61: {  	_ =	shalt  }
0x62: {  	_ =	shalt  }
0x63: {  	_ =	shalt  }
0x64: {  	_ =	shalt  }
0x65: {  	_ =	shalt  }
0x66: {  	_ =	shalt  }
0x67: {  	_ =	shalt  }
0x68: {  	_ =	shalt  }
0x69: {  	_ =	shalt  }
0x6a: {  	_ =	shalt  }
0x6b: {  	_ =	shalt  }
0x6c: {  	_ =	shalt  }
0x6d: {  	_ =	shalt  }
0x6e: {  	_ =	shalt  }
0x6f: {  	_ =	shalt  }
0x70: {  	_ =	shalt  }
0x71: {  	_ =	shalt  }
0x72: {  	_ =	shalt  }
0x73: {  	_ =	shalt  }
0x74: {  	_ =	shalt  }
0x75: {  	_ =	shalt  }
0x76: {  	_ =	shalt  }
0x77: {  	_ =	shalt  }
0x78: {  	_ =	shalt  }
0x79: {  	_ =	shalt  }
0x7a: {  	_ =	shalt  }
0x7b: {  	_ =	shalt  }
0x7c: {  	_ =	shalt  }
0x7d: {  	_ =	shalt  }
0x7e: {  	_ =	shalt  }
0x7f: {  	_ =	shalt  }
0x80: {  	_ =	shalt  }
0x81: {  	_ =	shalt  }
0x82: {  	_ =	shalt  }
0x83: {  	_ =	shalt  }
0x84: {  	_ =	shalt  }
0x85: {  	_ =	shalt  }
0x86: {  	_ =	shalt  }
0x87: {  	_ =	shalt  }
.Lfunc_end0:
.L_simem_size_0:
called_computation_lowered:
.L_overlay_start_0:
0x88: {  	s0 =	sld [smem:$0x3FD9]  }
0x89: {  	s1 =	sld [smem:$0x3FFE];
	_ =	sdelay $0x3  }
0x8a: {  	s0 =	sadd.s32 s1, s0  }
0x8b: {  	[smem:$0x3FC4] =	sst s0  }
0x8c: {  	_ = 	snop  }
0x8d: {  	s0 =	sld [smem:$0x3FC9]  }
0x8e: {  	s16 =	sld [smem:$0x3FC8]  }
0x8f: {  	s2 =	sld [smem:$0x3FD0];
	(tm) =	ssettm $0x1  }
0x90: {  	s3 =	sld [smem:$0x3FFB];
	_ =	sdelay $0x3  }
0x91: {  	_ =	strace s3  }
0x92: {  	s3 =	sld [smem:$0x3FFC];
	_ =	sdelay $0x3  }
0x93: {  	_ =	strace s3  }
0x94: {  	s3 =	sld [smem:$0x3FFD];
	_ =	sdelay $0x3  }
0x95: {  	_ =	strace s3  }
0x96: {  	_ =	strace $0x8FFFFFFF  }
0x97: {  	s17 =	sld [smem:$0x3FDB];
	_ =	sdelay $0x1  }
0x98: {  	s4 =	simm.s32 $_scs_section_size  }
0x99: {  	s5 =	simm.s32 $_size__tile_overlayer_lowered;
	s6 =	simm.s32 $_tile_overlayer_lowered  }
0x9a: {  	s20 =	simm.s32 $0x1BFF;
	s19 =	sshll.u32 s6, $0x1;
	s3 =	sadd.s32 s4, s17  }
0x9b: {  	s7 =	simm.s32 $0x0;
	s18 =	sshll.u32 s5, $0x1;
	s5 =	sadd.s32 s19, s3  }
0x9c: {  	[timem:s7], [sflag:s20] =	dma.local [hbm:s5], s18  }
0x9d: {  	_ =	swait.ge [sflag:s20], s18  }
0x9e: {  	s4 =	ssub.s32 $0x0, s18;
	[sflag:s20] =	ssyncset.done $0x0  }
0x9f: {  	[sflag:s20] =	ssyncadd.s32 s4;
	_ =	sdelay $0x1  }
0xa0: {  	s21 =	simm.s32 $0x1B8B  }
0xa1: {  	_ =	swait.ge [sflag:s21], $0x1  }
0xa2: {  	[sflag:s21] =	ssyncset.done $0x0  }
0xa3: {  	s23 =	simm.s32 $0x1B8E;
	s22 =	sld [smem:$0x3FFE];
	[sflag:s21] =	ssyncadd.s32 $0xFFFFFFFF  }
0xa4: {  	s24 =	simm.s32 $execute0_lowered;
	[smem:$0x3FD2] =	sst s23  }
0xa5: {  	s5 =	sshll.u32 s24, $0x1;
	_ =	strace $0x80000046;
	[dreg:$0x1] =	wrdreg $0xFFFFFFFF  }
0xa6: {  	s25 =	simm.s32 $_size_execute0_lowered;
	s3 =	sadd.s32 s3, s5;
	[dreg:$0x0] =	wrdreg $0x0  }
0xa7: {  	s5 =	sshll.u32 s25, $0x1;
	[dreg:$0x2] =	wrdreg s3  }
0xa8: {  	[dreg:$0x3] =	wrdreg s5  }
0xa9: {  	[dreg:$0x4] =	wrdreg $0xC0  }
0xaa: {  	_ =	task [dreg:s7], $0x5FFFF  }
0xab: {  	[dreg:$0x1] =	wrdreg $0xFFFFFFFF  }
0xac: {  	[dreg:$0x0] =	wrdreg $0x60  }
0xad: {  	[dreg:$0x2] =	wrdreg s0  }
0xae: {  	[dreg:$0x3] =	wrdreg s16  }
0xaf: {  	[dreg:$0x4] =	wrdreg s22  }
0xb0: {  	[dreg:$0x5] =	wrdreg s2  }
0xb1: {  	[dreg:$0x6] =	wrdreg $0x12800  }
0xb2: {  	[dreg:$0x7] =	wrdreg $0x9  }
0xb3: {  	_ =	task.clear_ibuf [dreg:s7], $0x8FFFF;
	_ =	strace $0x90000046  }
0xb4: {  	s26 =	simm.s32 $0x9;
	_ =	strace $0x80000048  }
0xb5: {  	_ =	swait.ge [sflag:s26], $0x1  }
0xb6: {  	[sflag:s26] =	ssyncadd.s32 $0xFFFFFFFF  }
0xb7: {  	_ =	strace $0x90000048  }
0xb8: {  	_ =	sfence  }
0xb9: {  	s28 =	sld [smem:$0x0];
	_ =	sdelay $0x1  }
0xba: {  	s29 =	srdreg.scid  }
0xbb: {  	s30 =	sshll.u32 s29, $0xD;
	s31 =	sshrl.u32 s29, $0x2  }
0xbc: {  	s1 =	sand.u32 $0x1, s29;
	s2 =	sand.u32 $0x4000, s30;
	s0 =	sadd.s32 s31, s28  }
0xbd: {  	s1 =	sor.u32 s2, s1;
	s0 =	sshll.u32 s0, $0x11  }
0xbe: {  	s0 =	sor.u32 s0, s1  }
0xbf: {  	s0 =	sadd.s32 $0x8F2B, s0  }
0xc0: {  	[sflag:s0] =	ssyncadd.remote.s32 $0x1  }
0xc1: {  	_ =	sfence.sel $0xFFFF  }
0xc2: {  	[dreg:$0x0] =	wrdreg $0xFFFFFFFF;
	(pc) =	sbr.abs _section_cstart, $3  }
0xc3: {  	[dreg:$0x1] =	wrdreg $0xFFFFFFFF  }
0xc4: {  	_ =	task.clear_ibuf [dreg:s7], $0x2FFFF;
	_ =	strace $0x9FFFFFFF  }
0xc5: {  	(tm) =	ssettm $0x7FFFFFFF  }
tec
execute0_lowered:
.L_overlay_start_1:
0x0: {  	(tag) =	ssettag $0x1  }
0x1: {  	s4 =	rddreg [dreg:$0x0]  }
0x2: {  	s3 =	rddreg [dreg:$0x1]  }
0x3: {  	s5 =	rddreg [dreg:$0x2]  }
0x4: {  	s1 =	rddreg [dreg:$0x3]  }
0x5: {  	s2 =	rddreg [dreg:$0x4]  }
0x6: {  	s0 =	rddreg [dreg:$0x5]  }
0x7: {  	_ =	strace $0x80000047;
	s6 =	simm.s32 $0x0;
	s7 =	simm.s32 $0x800  }
0x8: {  	[tilespmem:s7], [sflag:$0x2] =	stream.linear.gather [hbm4b:s3+s6], $0x400, $0x38;
	[tilespmem:$0x1290] =	vst v63  }
0x9: {  	s23 =	simm.s32 $0x1080;
	s22 =	sadd.s32 $0x600, s5  }
0xa: {  	[tilespmem:s23], [sflag:$0x3] =	stream.linear.gather [hbm4b:s22+s6], $0x80, $0x38;
	[tilespmem:$0x1290] =	vst v63  }
0xb: {  	s25 =	simm.s32 $0x4;
	s24 =	sadd.s32 $0x400, s5  }
0xc: {  	[tilespmem:s6], [sflag:$0x4] =	stream.linear.gather [hbm4b:s24+s6], $0x800, $0x38;
	[tilespmem:$0x1290] =	vst v63  }
0xd: {  	_ =	swait.ge [sflag:s25], $0x800  }
0xe: {  	s3 =	stileid.u32;
	[sflag:s25] =	ssyncset.done $0x0  }
0xf: {  	s26 =	sshll.u32 s3, $0x7;
	[sflag:s25] =	ssyncadd.s32 $0xFFFFF800  }
0x10: {  	v0 =	vld.msk [tilespmem:s26+$0x0], $0x1;
	_ =	sdelay $0x4  }
0x11: {  	v1 =	vshll.u32 v0, $0x3  }
0x12: {  	v0 =	vand.u32 $0x7, v0;
	v1 =	vand.u32 $0xFFFFFFC0, v1  }
0x13: {  	v2 =	vlaneseq.u32;
	v0 =	vor.u32 v0, v1;
	v1 =	vimm.s32 $0x0  }
0x14: {  	v0 =	vperm.xlane v0, v1;
	v1 =	vmul.u32 $0x8, v2;
	_ =	sdelay $0x1  }
0x15: {  	v0 =	vadd.s32 v1, v0;
	_ =	sdelay $0x3  }
0x16: {  	vm0 =	vmmov $0xff;
	s28 =	simm.s32 $0xC00;
	s29 =	simm.s32 $0x1  }
0x17: {  	[tilespmem:s28], [sflag:$0x1] =	stream.indirect_vreg.gather [hbm4b:s4+s6], $0x80, v0, vm0, $0xb8;
	[tilespmem:$0x1290] =	vst v63  }
0x18: {  	_ =	swait.ge [sflag:s29], $0x400  }
0x19: {  	[sflag:s29] =	ssyncset.done $0x0  }
0x1a: {  	s30 =	simm.s32 $0x2;
	[sflag:s29] =	ssyncadd.s32 $0xFFFFFC00  }
0x1b: {  	_ =	swait.ge [sflag:s30], $0x400  }
0x1c: {  	[sflag:s30] =	ssyncset.done $0x0  }
0x1d: {  	s31 =	simm.s32 $0xC20;
	[sflag:s30] =	ssyncadd.s32 $0xFFFFFC00  }
0x1e: {  	s4 =	simm.s32 $0x820;
	v5 =	vld [tilespmem:s31+$0xFFFFFFE0]  }
0x1f: {  	v7 =	vld [tilespmem:s4+$0xFFFFFFE0]  }
0x20: {  	v2 =	vld [tilespmem:s31+$0xFFFFFFF0]  }
0x21: {  	v4 =	vld [tilespmem:s4+$0xFFFFFFF0]  }
0x22: {  	v0 =	vld [tilespmem:s31+$0x0]  }
0x23: {  	v3 =	vld [tilespmem:s4+$0x0]  }
0x24: {  	v1 =	vld [tilespmem:s31+$0x10];
	v7 =	vmul.f32 v7, v5  }
0x25: {  	v6 =	vimm.f32 $0.0e+00;
	s5 =	simm.s32 $0x0;
	s6 =	simm.s32 $0xC60;
	v5 =	vld [tilespmem:s4+$0x10]  }
.LBB2_1:
0x26: {  	v8 =	vld [tilespmem:s6+$0xFFFFFFE0];
	v6 =	vadd.f32 v7, v6;
	v4 =	vmul.f32 v4, v2;
	s4 =	sadd.s32 $0x40, s4  }
0x27: {  	s5 =	sadd.s32 $0x4, s5;
	v7 =	vld [tilespmem:s4+$0xFFFFFFE0]  }
0x28: {  	p0 =	slt.u32 s5, $0x3C;
	v2 =	vld [tilespmem:s6+$0xFFFFFFF0];
	v6 =	vadd.f32 v4, v6;
	v3 =	vmul.f32 v3, v0  }
.Ltmp0:
0x29: {  	v4 =	vld [tilespmem:s4+$0xFFFFFFF0];
	(pc) =	sbr.rel @p0 .LBB2_1-.Ltmp0, $4  }
0x2a: {  	v0 =	vld [tilespmem:s6+$0x0];
	v6 =	vadd.f32 v3, v6;
	v5 =	vmul.f32 v5, v1  }
0x2b: {  	v3 =	vld [tilespmem:s4+$0x0]  }
0x2c: {  	v7 =	vmul.f32 v7, v8;
	v1 =	vld [tilespmem:s6+$0x10];
	v6 =	vadd.f32 v5, v6  }
0x2d: {  	s6 =	sadd.s32 $0x40, s6;
	v5 =	vld [tilespmem:s4+$0x10]  }
0x2e: {  	v6 =	vadd.f32 v7, v6;
	v2 =	vmul.f32 v4, v2;
	_ =	sdelay $0x1  }
0x2f: {  	v2 =	vadd.f32 v2, v6;
	v0 =	vmul.f32 v3, v0;
	_ =	sdelay $0x1  }
0x30: {  	v0 =	vadd.f32 v0, v2;
	v1 =	vmul.f32 v5, v1;
	_ =	sdelay $0x1  }
0x31: {  	v0 =	vadd.f32 v1, v0;
	_ =	sdelay $0x1  }
0x32: {  	(xrf2) =	vadd.scan.msk.f32 $0xffff, v0;
	_ =	sdelay $0x9  }
0x33: {  	v0, _, _ =	vpop (xrf2)  }
0x34: {  	v62 =	vmov s3;
	v63 =	vlaneseq.u32;
	v0 =	vbroadcast v0, $0xF  }
0x35: {  	vm0 =	veq.s32 v62, v63  }
0x36: {  	s4 =	sshll.u32 s3, $0x4;
	v0 =	vnsel vm0, $0x0, v0  }
0x37: {  	s5 =	simm.s32 $0x1000;
	s30 =	simm.s32 $0x4;
	s4 =	sadd.s32 s4, s2;
	[tilespmem:$0x1000] =	vst v0  }
0x38: {  	[spmem:s4] =	stream.linear.scatter [tilespmem:s5], [sflag:$0x4], $0x10, $0x38;
	[tilespmem:$0x1290] =	vst v63  }
0x39: {  	_ =	swait.ge [sflag:s30], $0x10  }
0x3a: {  	[sflag:s30] =	ssyncset.done $0x0  }
0x3b: {  	s31 =	simm.s32 $0x3;
	[sflag:s30] =	ssyncadd.s32 $0xFFFFFFF0  }
0x3c: {  	_ =	swait.ge [sflag:s31], $0x80  }
0x3d: {  	[sflag:s31] =	ssyncset.done $0x0  }
0x3e: {  	[sflag:s31] =	ssyncadd.s32 $0xFFFFFF80  }
0x3f: {  	p0 =	sne.s32 s3, $0x0;
	[bflag:$0x0] =	sbarrier.arrive $0xFFFF  }
0x40: {  	_ =	sfence.sel @p0 $0x180000  }
0x41: {  	[bflag:$0x0] =	sbarrier.arrive @p0 $0xFFFF  }
0x42: {  	_ =	strace @p0 $0x90000047  }
0x43: {  	s3 =	simm.s32 @!p0 $0x1100;
	[bflag:$0x2] =	sbarrier.arrive @p0 $0xFFFF  }
0x44: {  	[tilespmem:s3], [sflag:$0x4] =	stream.linear.gather @!p0 [spmem:s2], $0x100, $0x38;
	[tilespmem:$0x1290] =	vst v63  }
0x45: {  	s2 =	simm.s32 @!p0 $0x4  }
0x46: {  	_ =	swait.ge @!p0 [sflag:s2], $0x100  }
0x47: {  	[sflag:s2] =	ssyncset.done @!p0 $0x0  }
0x48: {  	[sflag:s2] =	ssyncadd.s32 @!p0 $0xFFFFFF00  }
0x49: {  	v0 =	vld @!p0 [tilespmem:$0x1100]  }
0x4a: {  	v1 =	vld @!p0 [tilespmem:$0x1110];
	_ =	sdelay $0x1  }
0x4b: {  	v2 =	vld @!p0 [tilespmem:$0x1120];
	_ =	sdelay $0x1  }
0x4c: {  	v3 =	vld @!p0 [tilespmem:$0x1130]  }
0x4d: {  	v0 =	vadd.f32 @!p0 v1, v0  }
0x4e: {  	v1 =	vld @!p0 [tilespmem:$0x1140]  }
0x4f: {  	v0 =	vadd.f32 @!p0 v2, v0  }
0x50: {  	v2 =	vld @!p0 [tilespmem:$0x1150]  }
0x51: {  	v0 =	vadd.f32 @!p0 v3, v0  }
0x52: {  	v3 =	vld @!p0 [tilespmem:$0x1160]  }
0x53: {  	v0 =	vadd.f32 @!p0 v1, v0  }
0x54: {  	v1 =	vld @!p0 [tilespmem:$0x1170]  }
0x55: {  	v0 =	vadd.f32 @!p0 v2, v0  }
0x56: {  	v2 =	vld @!p0 [tilespmem:$0x1180]  }
0x57: {  	v0 =	vadd.f32 @!p0 v3, v0  }
0x58: {  	v3 =	vld @!p0 [tilespmem:$0x1190]  }
0x59: {  	v0 =	vadd.f32 @!p0 v1, v0  }
0x5a: {  	v1 =	vld @!p0 [tilespmem:$0x11A0]  }
0x5b: {  	v0 =	vadd.f32 @!p0 v2, v0  }
0x5c: {  	v2 =	vld @!p0 [tilespmem:$0x11B0]  }
0x5d: {  	v0 =	vadd.f32 @!p0 v3, v0  }
0x5e: {  	v3 =	vld @!p0 [tilespmem:$0x11C0]  }
0x5f: {  	v0 =	vadd.f32 @!p0 v1, v0  }
0x60: {  	v1 =	vld @!p0 [tilespmem:$0x11D0]  }
0x61: {  	v0 =	vadd.f32 @!p0 v2, v0  }
0x62: {  	v2 =	vld @!p0 [tilespmem:$0x11E0]  }
0x63: {  	v0 =	vadd.f32 @!p0 v3, v0  }
0x64: {  	v3 =	vld @!p0 [tilespmem:$0x11F0]  }
0x65: {  	v0 =	vadd.f32 @!p0 v1, v0  }
0x66: {  	v1 =	vld @!p0 [tilespmem:$0x1080]  }
0x67: {  	v0 =	vadd.f32 @!p0 v2, v0;
	_ =	sdelay $0x1  }
0x68: {  	v0 =	vadd.f32 @!p0 v3, v0;
	_ =	sdelay $0x1  }
0x69: {  	v0 =	vadd.f32 @!p0 v1, v0;
	_ =	sdelay $0x1  }
0x6a: {  	v0 =	vsub.f32 @!p0 $0.0e+00, v0;
	_ =	sdelay $0x1  }
0x6b: {  	v0 =	vmul.f32 @!p0 $1.442695020e+00, v0;
	_ =	sdelay $0x1  }
0x6c: {  	(erf) = vpow2.f32 @!p0 v0;
	_ =	sdelay $0x8  }
0x6d: {  	v0 =	vpop @!p0 (erf)  }
0x6e: {  	v0 =	vadd.f32 @!p0 $1.000000000e+00, v0;
	_ =	sdelay $0x1  }
0x6f: {  	(erf) = vrcp.f32 @!p0 v0;
	_ =	sdelay $0x8  }
0x70: {  	v0 =	vpop @!p0 (erf)  }
0x71: {  	s4 =	simm.s32 @!p0 $0x1200;
	s3 =	simm.s32 @!p0 $0x0;
	[tilespmem:$0x1200] =	vst @!p0 v0  }
0x72: {  	[hbm4b:s1+s3] =	stream.linear.scatter @!p0 [tilespmem:s4], [sflag:$0x4], $0x80, $0x38;
	[tilespmem:$0x1290] =	vst v63  }
0x73: {  	_ =	swait.ge @!p0 [sflag:s2], $0x80  }
0x74: {  	[sflag:s2] =	ssyncset.done @!p0 $0x0  }
0x75: {  	[sflag:s2] =	ssyncadd.s32 @!p0 $0xFFFFFF80  }
0x76: {  	_ =	sfence.sel @!p0 $0x180000  }
0x77: {  	[bflag:$0x0] =	sbarrier.arrive @!p0 $0xFFFF  }
0x78: {  	_ =	strace @!p0 $0x90000047  }
0x79: {  	s0 =	sadd.s32 @!p0 $0x100000, s0;
	[bflag:$0x2] =	sbarrier.arrive @!p0 $0xFFFF  }
0x7a: {  	[sflag:s0] =	ssyncadd.tile.s32 @!p0 $0x1;
	_ =	shalt  }
.Lfunc_end2:
_tile_overlayer_lowered:
.L_overlay_start_2:
0x7b: {  	(tag) =	ssettag $0x2  }
0x7c: {  	s0 =	rddreg [dreg:$0x0];
	s2 =	stileid.u32  }
0x7d: {  	s1 =	rddreg [dreg:$0x1];
	p0 =	sne.s32 s2, $0x0  }
0x7e: {  	s3 =	rddreg [dreg:$0x2];
	[bflag:$0x3] =	sbarrier.arrive $0xFFFF;
	s2 =	simm.s32 @!p0 $0x1C04  }
0x7f: {  	[timem:s3], [sflag:s2] =	dma.local @!p0 [hbm:s0], s1  }
0x80: {  	s0 =	simm.s32 @!p0 $0x4  }
0x81: {  	_ =	swait.ge @!p0 [sflag:s0], s1  }
0x82: {  	s1 =	ssub.s32 @!p0 $0x0, s1;
	[sflag:s0] =	ssyncset.done @!p0 $0x0  }
0x83: {  	[sflag:s0] =	ssyncadd.s32 @!p0 s1  }
0x84: {  	[bflag:$0x3] =	sbarrier.arrive $0xFFFF  }
0x85: {  	_ =	shalt  }

</sc_bundles>
